<compile_context>
chip_gen: v7x
topology: tpu7x:2x2x1
jax: 0.10.2.dev20260603
libtpu: 0.0.44.dev20260713+nightly
codegen_flags: <defaults>
</compile_context>

<pallas_src>
import functools

import jax
import jax.numpy as jnp
from jax import lax
from jax.experimental import pallas as pl
from jax.experimental.pallas import tpu as pltpu
from jax.experimental.pallas import tpu_sc as plsc


_NBUF = 4
_CHUNK = 16


def _make_gather(vocab: int, d_model: int, batch: int, seq: int):
    info = plsc.get_sparse_core_info()
    nc, ns = info.num_cores, info.num_subcores
    nw = nc * ns
    n_idx = batch * seq
    per_w = n_idx // nw
    chunk = _CHUNK
    n_chunks = per_w // chunk
    w_per_row = seq // per_w

    mesh = plsc.VectorSubcoreMesh(core_axis_name="c", subcore_axis_name="s")

    @functools.partial(
        pl.kernel,
        mesh=mesh,
        out_type=jax.ShapeDtypeStruct((n_idx, d_model), jnp.float32),
        scratch_types=(
            [pltpu.VMEM((n_chunks, chunk), jnp.int32)]
            + [pltpu.VMEM((chunk, d_model), jnp.float32)
               for _ in range(_NBUF)]
            + [pltpu.SemaphoreType.DMA for _ in range(2 * _NBUF)]
        ),
    )
    def gather_kernel(idx_hbm, table_hbm, out_hbm, idx_v, *scratch):
        bufs = scratch[:_NBUF]
        sem_g = scratch[_NBUF:2 * _NBUF]
        sem_s = scratch[2 * _NBUF:]
        wid = lax.axis_index("s") * nc + lax.axis_index("c")
        base = wid * per_w
        pltpu.sync_copy(idx_hbm.at[wid], idx_v)

        def start_g(i, b):
            return pltpu.async_copy(
                table_hbm.at[idx_v[i]], bufs[b], sem_g[b])

        def start_s(i, b):
            return pltpu.async_copy(
                bufs[b], out_hbm.at[pl.ds(base + i * chunk, chunk)],
                sem_s[b])

        def wait_g(b):
            pltpu.make_async_copy(
                table_hbm.at[idx_v[0]], bufs[b], sem_g[b]).wait()

        def wait_s(b):
            pltpu.make_async_copy(
                bufs[b], out_hbm.at[pl.ds(base, chunk)], sem_s[b]).wait()

        n_outer = n_chunks // _NBUF
        for j in range(_NBUF):
            start_g(j, j)

        def body(k, _):
            for b in range(_NBUF):
                i = k * _NBUF + b
                pb = (b - 1) % _NBUF

                @pl.when((k > 0) if b == 0 else (k < n_outer - 1))
                def _():
                    wait_s(pb)
                    start_g(i - 1 + _NBUF, pb)

                wait_g(b)
                start_s(i, b)
            return ()

        lax.fori_loop(0, n_outer, body, (), unroll=False)
        for b in range(_NBUF):
            wait_s(b)

    def run(idx, table):
        return gather_kernel(idx.reshape(nw, n_chunks, chunk), table)

    return run


def kernel(input_ids, attention_mask, position_ids, labels, embed_table):
    vocab, d_model = embed_table.shape
    b, s = input_ids.shape
    gather = _make_gather(vocab, d_model, b, s)
    rows = gather(input_ids, embed_table)
    return (rows.reshape(b, s, d_model), attention_mask, position_ids, labels)

# --- scband reference (transcript-rebuilt; emitter-appended) ---
"""Pipeline reference for scband-embedding-pipe-41162966565098 (READ-ONLY COPY).

The authoritative reference and input builder live on the scoring server;
editing this copy changes nothing except your own understanding.
"""

import jax, jax.numpy as jnp
import numpy as np

VOCAB = 100000
D_MODEL = 1024
BATCH = 4
SEQ = 4096


def setup_inputs(seed: int = 0) -> dict:
    key = jax.random.key(seed)
    k_ids, k_lab, k_tbl = jax.random.split(key, 3)
    input_ids = jax.random.randint(k_ids, (BATCH, SEQ), 0, VOCAB, dtype=jnp.int32)
    attention_mask = jnp.ones((BATCH, SEQ), dtype=jnp.int32)
    position_ids = jnp.arange(BATCH * SEQ, dtype=jnp.int32).reshape(BATCH, SEQ) % SEQ
    labels = jax.random.randint(k_lab, (BATCH, SEQ), 0, VOCAB, dtype=jnp.int32)
    embed_table = jax.random.normal(k_tbl, (VOCAB, D_MODEL), dtype=jnp.float32) * 0.02
    return {
        "input_ids": input_ids,
        "attention_mask": attention_mask,
        "position_ids": position_ids,
        "labels": labels,
        "embed_table": embed_table,
    }


def reference(input_ids, attention_mask, position_ids, labels, embed_table):
    # EmbeddingPipe.forward with attn_implementation='flash_attention_2':
    # asserts attention_mask is 2D and passes it through untouched.
    # inputs_embeds = self.orig(input_ids)  -> embedding gather
    assert attention_mask.ndim == 2
    hidden_states = jnp.take(embed_table, input_ids, axis=0)
    return (hidden_states, attention_mask, position_ids, labels)

if __name__ == "__main__":
    import jax
    _d = setup_inputs()
    print(jax.jit(kernel)(*tuple(_d.values())))

</pallas_src>

<mosaic_0001>
#map = affine_map<(d0, d1) -> (0, 0, 0)>
#map1 = affine_map<(d0, d1) -> (0, 0)>
module attributes {stable_mosaic.version = 14 : i64} {
  func.func @gather_kernel(%arg0: i32, %arg1: i32, %arg2: memref<32x32x16xi32, #tpu.memory_space<hbm>>, %arg3: memref<100000x1024xf32, #tpu.memory_space<hbm>>, %arg4: memref<16384x1024xf32, #tpu.memory_space<hbm>>, %arg5: memref<32x16xi32, #tpu.memory_space<vmem>>, %arg6: memref<16x1024xf32, #tpu.memory_space<vmem>>, %arg7: memref<16x1024xf32, #tpu.memory_space<vmem>>, %arg8: memref<16x1024xf32, #tpu.memory_space<vmem>>, %arg9: memref<16x1024xf32, #tpu.memory_space<vmem>>, %arg10: memref<!tpu.dma_semaphore, #tpu.memory_space<semaphore_mem>>, %arg11: memref<!tpu.dma_semaphore, #tpu.memory_space<semaphore_mem>>, %arg12: memref<!tpu.dma_semaphore, #tpu.memory_space<semaphore_mem>>, %arg13: memref<!tpu.dma_semaphore, #tpu.memory_space<semaphore_mem>>, %arg14: memref<!tpu.dma_semaphore, #tpu.memory_space<semaphore_mem>>, %arg15: memref<!tpu.dma_semaphore, #tpu.memory_space<semaphore_mem>>, %arg16: memref<!tpu.dma_semaphore, #tpu.memory_space<semaphore_mem>>, %arg17: memref<!tpu.dma_semaphore, #tpu.memory_space<semaphore_mem>>) attributes {dimension_semantics = [#tpu.dimension_semantics<core_parallel>, #tpu.dimension_semantics<subcore_parallel>], iteration_bounds = array<i64: 2, 16>, scalar_prefetch = 0 : i64, scratch_operands = 13 : i64, tpu.core_type = #tpu.core_type<sc_vector_subcore>, window_params = [{transform_indices = #map}, {transform_indices = #map1}, {transform_indices = #map1}]} {
    %mul3A = arith.constant 2 : i32
    %mul3A_0 = arith.muli %arg1, %mul3A : i32
    %add3A = arith.addi %mul3A_0, %arg0 : i32
    %mul3A_1 = arith.constant 512 : i32
    %mul3A_2 = arith.muli %add3A, %mul3A_1 : i32
    "tpu.region"() ({
      %run_scoped3A = tpu.sem_alloc : memref<!tpu.dma_semaphore, #tpu.memory_space<semaphore_mem>>
      %dma_start3A_52 = arith.constant 0 : i32
      %dma_start3A_53 = arith.constant 0 : i32
      %dma_start3A_54 = tpu.memref_slice %arg2[%add3A, %dma_start3A_52, %dma_start3A_53] : memref<32x32x16xi32, #tpu.memory_space<hbm>> -> memref<1x32x16xi32, #tpu.memory_space<hbm>>
      %dma_start3A_55 = tpu.memref_squeeze %dma_start3A_54 : memref<1x32x16xi32, #tpu.memory_space<hbm>> -> memref<32x16xi32, #tpu.memory_space<hbm>>
      %dma_start3A_56 = arith.constant 0 : i32
      %dma_start3A_57 = arith.constant 0 : i32
      %dma_start3A_58 = tpu.memref_slice %arg2[%add3A, %dma_start3A_56, %dma_start3A_57] : memref<32x32x16xi32, #tpu.memory_space<hbm>> -> memref<1x32x16xi32, #tpu.memory_space<hbm>>
      %dma_start3A_59 = tpu.memref_squeeze %dma_start3A_58 : memref<1x32x16xi32, #tpu.memory_space<hbm>> -> memref<32x16xi32, #tpu.memory_space<hbm>>
      tpu.enqueue_dma source(%dma_start3A_59 : memref<32x16xi32, #tpu.memory_space<hbm>>) target(%arg5 : memref<32x16xi32, #tpu.memory_space<vmem>>) target_semaphore(%run_scoped3A : memref<!tpu.dma_semaphore, #tpu.memory_space<semaphore_mem>>)
      %dma_wait3A_60 = arith.constant 0 : i32
      %dma_wait3A_61 = arith.constant 0 : i32
      %dma_wait3A_62 = tpu.memref_slice %arg2[%add3A, %dma_wait3A_60, %dma_wait3A_61] : memref<32x32x16xi32, #tpu.memory_space<hbm>> -> memref<1x32x16xi32, #tpu.memory_space<hbm>>
      %dma_wait3A_63 = tpu.memref_squeeze %dma_wait3A_62 : memref<1x32x16xi32, #tpu.memory_space<hbm>> -> memref<32x16xi32, #tpu.memory_space<hbm>>
      %dma_wait3A_64 = arith.constant 0 : i32
      %dma_wait3A_65 = arith.constant 0 : i32
      %dma_wait3A_66 = tpu.memref_slice %arg2[%add3A, %dma_wait3A_64, %dma_wait3A_65] : memref<32x32x16xi32, #tpu.memory_space<hbm>> -> memref<1x32x16xi32, #tpu.memory_space<hbm>>
      %dma_wait3A_67 = tpu.memref_squeeze %dma_wait3A_66 : memref<1x32x16xi32, #tpu.memory_space<hbm>> -> memref<32x16xi32, #tpu.memory_space<hbm>>
      tpu.wait_dma2 semaphore(%run_scoped3A : memref<!tpu.dma_semaphore, #tpu.memory_space<semaphore_mem>>) src(%dma_wait3A_67 : memref<32x16xi32, #tpu.memory_space<hbm>>) dst(%arg5 : memref<32x16xi32, #tpu.memory_space<vmem>>)
      tpu.yield
    }) : () -> ()
    %get3A = arith.constant 0 : i32
    %get3A_3 = arith.index_cast %get3A : i32 to index
    %get3A_4 = arith.constant 0 : index
    %get3A_5 = tpu.vector_load %arg5[%get3A_3, %get3A_4] {strides = array<i32>} : memref<32x16xi32, #tpu.memory_space<vmem>>, vector<1x16xi32>,
    %get3A_6 = vector.shape_cast %get3A_5 : vector<1x16xi32> to vector<16xi32>
    %dma_start3A = arith.constant 0 : i32
    %dma_start3A_7 = arith.constant 0 : i32
    %dma_start3A_8 = tpu.memref_slice %arg3[%dma_start3A, %dma_start3A_7] : memref<100000x1024xf32, #tpu.memory_space<hbm>> -> memref<100000x1024xf32, #tpu.memory_space<hbm>>
    tpu.enqueue_indirect_dma source(%dma_start3A_8 : memref<100000x1024xf32, #tpu.memory_space<hbm>>) target(%arg6 : memref<16x1024xf32, #tpu.memory_space<vmem>>) offsets(%get3A_6 : vector<16xi32>) semaphore(%arg10 : memref<!tpu.dma_semaphore, #tpu.memory_space<semaphore_mem>>)
    %get3A_9 = arith.constant 1 : i32
    %get3A_10 = arith.index_cast %get3A_9 : i32 to index
    %get3A_11 = arith.constant 0 : index
    %get3A_12 = tpu.vector_load %arg5[%get3A_10, %get3A_11] {strides = array<i32>} : memref<32x16xi32, #tpu.memory_space<vmem>>, vector<1x16xi32>,
    %get3A_13 = vector.shape_cast %get3A_12 : vector<1x16xi32> to vector<16xi32>
    %dma_start3A_14 = arith.constant 0 : i32
    %dma_start3A_15 = arith.constant 0 : i32
    %dma_start3A_16 = tpu.memref_slice %arg3[%dma_start3A_14, %dma_start3A_15] : memref<100000x1024xf32, #tpu.memory_space<hbm>> -> memref<100000x1024xf32, #tpu.memory_space<hbm>>
    tpu.enqueue_indirect_dma source(%dma_start3A_16 : memref<100000x1024xf32, #tpu.memory_space<hbm>>) target(%arg7 : memref<16x1024xf32, #tpu.memory_space<vmem>>) offsets(%get3A_13 : vector<16xi32>) semaphore(%arg11 : memref<!tpu.dma_semaphore, #tpu.memory_space<semaphore_mem>>)
    %get3A_17 = arith.constant 2 : i32
    %get3A_18 = arith.index_cast %get3A_17 : i32 to index
    %get3A_19 = arith.constant 0 : index
    %get3A_20 = tpu.vector_load %arg5[%get3A_18, %get3A_19] {strides = array<i32>} : memref<32x16xi32, #tpu.memory_space<vmem>>, vector<1x16xi32>,
    %get3A_21 = vector.shape_cast %get3A_20 : vector<1x16xi32> to vector<16xi32>
    %dma_start3A_22 = arith.constant 0 : i32
    %dma_start3A_23 = arith.constant 0 : i32
    %dma_start3A_24 = tpu.memref_slice %arg3[%dma_start3A_22, %dma_start3A_23] : memref<100000x1024xf32, #tpu.memory_space<hbm>> -> memref<100000x1024xf32, #tpu.memory_space<hbm>>
    tpu.enqueue_indirect_dma source(%dma_start3A_24 : memref<100000x1024xf32, #tpu.memory_space<hbm>>) target(%arg8 : memref<16x1024xf32, #tpu.memory_space<vmem>>) offsets(%get3A_21 : vector<16xi32>) semaphore(%arg12 : memref<!tpu.dma_semaphore, #tpu.memory_space<semaphore_mem>>)
    %get3A_25 = arith.constant 3 : i32
    %get3A_26 = arith.index_cast %get3A_25 : i32 to index
    %get3A_27 = arith.constant 0 : index
    %get3A_28 = tpu.vector_load %arg5[%get3A_26, %get3A_27] {strides = array<i32>} : memref<32x16xi32, #tpu.memory_space<vmem>>, vector<1x16xi32>,
    %get3A_29 = vector.shape_cast %get3A_28 : vector<1x16xi32> to vector<16xi32>
    %dma_start3A_30 = arith.constant 0 : i32
    %dma_start3A_31 = arith.constant 0 : i32
    %dma_start3A_32 = tpu.memref_slice %arg3[%dma_start3A_30, %dma_start3A_31] : memref<100000x1024xf32, #tpu.memory_space<hbm>> -> memref<100000x1024xf32, #tpu.memory_space<hbm>>
    tpu.enqueue_indirect_dma source(%dma_start3A_32 : memref<100000x1024xf32, #tpu.memory_space<hbm>>) target(%arg9 : memref<16x1024xf32, #tpu.memory_space<vmem>>) offsets(%get3A_29 : vector<16xi32>) semaphore(%arg13 : memref<!tpu.dma_semaphore, #tpu.memory_space<semaphore_mem>>)
    %scan3A = arith.constant 0 : i32
    %scan3A_33 = arith.constant 8 : i32
    %scan3A_34 = arith.addi %scan3A, %scan3A_33 : i32
    %scan3A_35 = arith.constant 1 : i32
    scf.for %scan3A_52 = %scan3A to %scan3A_34 step %scan3A_35  : i32 {
      %mul3A_53 = arith.constant 4 : i32
      %mul3A_54 = arith.muli %scan3A_52, %mul3A_53 : i32
      %add3A_55 = arith.constant 0 : i32
      %add3A_56 = arith.addi %mul3A_54, %add3A_55 : i32
      %gt3A = arith.constant 0 : i32
      %gt3A_57 = arith.cmpi sgt, %scan3A_52, %gt3A : i32
      %convert_element_type3A = arith.extui %gt3A_57 : i1 to i32
      %cond3A = arith.constant 0 : i32
      %cond3A_58 = arith.cmpi ne, %convert_element_type3A, %cond3A : i32
      scf.if %cond3A_58 {
        %dma_wait3A_145 = arith.constant 0 : i32
        %dma_wait3A_146 = tpu.memref_slice %arg4[%mul3A_2, %dma_wait3A_145] : memref<16384x1024xf32, #tpu.memory_space<hbm>> -> memref<16x1024xf32, #tpu.memory_space<hbm>>
        %dma_wait3A_147 = arith.constant 0 : i32
        %dma_wait3A_148 = tpu.memref_slice %arg4[%mul3A_2, %dma_wait3A_147] : memref<16384x1024xf32, #tpu.memory_space<hbm>> -> memref<16x1024xf32, #tpu.memory_space<hbm>>
        tpu.wait_dma2 semaphore(%arg17 : memref<!tpu.dma_semaphore, #tpu.memory_space<semaphore_mem>>) src(%arg9 : memref<16x1024xf32, #tpu.memory_space<vmem>>) dst(%dma_wait3A_148 : memref<16x1024xf32, #tpu.memory_space<hbm>>)
        %sub3A = arith.constant 1 : i32
        %sub3A_149 = arith.subi %add3A_56, %sub3A : i32
        %add3A_150 = arith.constant 4 : i32
        %add3A_151 = arith.addi %sub3A_149, %add3A_150 : i32
        %get3A_152 = arith.index_cast %add3A_151 : i32 to index
        %get3A_153 = arith.constant 0 : index
        %get3A_154 = tpu.vector_load %arg5[%get3A_152, %get3A_153] {strides = array<i32>} : memref<32x16xi32, #tpu.memory_space<vmem>>, vector<1x16xi32>,
        %get3A_155 = vector.shape_cast %get3A_154 : vector<1x16xi32> to vector<16xi32>
        %dma_start3A_156 = arith.constant 0 : i32
        %dma_start3A_157 = arith.constant 0 : i32
        %dma_start3A_158 = tpu.memref_slice %arg3[%dma_start3A_156, %dma_start3A_157] : memref<100000x1024xf32, #tpu.memory_space<hbm>> -> memref<100000x1024xf32, #tpu.memory_space<hbm>>
        tpu.enqueue_indirect_dma source(%dma_start3A_158 : memref<100000x1024xf32, #tpu.memory_space<hbm>>) target(%arg9 : memref<16x1024xf32, #tpu.memory_space<vmem>>) offsets(%get3A_155 : vector<16xi32>) semaphore(%arg13 : memref<!tpu.dma_semaphore, #tpu.memory_space<semaphore_mem>>)
      } else {
      }
      %get3A_59 = arith.constant 0 : i32
      %get3A_60 = arith.index_cast %get3A_59 : i32 to index
      %get3A_61 = arith.constant 0 : index
      %get3A_62 = tpu.vector_load %arg5[%get3A_60, %get3A_61] {strides = array<i32>} : memref<32x16xi32, #tpu.memory_space<vmem>>, vector<1x16xi32>,
      %get3A_63 = vector.shape_cast %get3A_62 : vector<1x16xi32> to vector<16xi32>
      %dma_wait3A_64 = arith.constant 0 : i32
      %dma_wait3A_65 = arith.constant 0 : i32
      %dma_wait3A_66 = tpu.memref_slice %arg3[%dma_wait3A_64, %dma_wait3A_65] : memref<100000x1024xf32, #tpu.memory_space<hbm>> -> memref<100000x1024xf32, #tpu.memory_space<hbm>>
      tpu.wait_indirect_dma semaphore(%arg10 : memref<!tpu.dma_semaphore, #tpu.memory_space<semaphore_mem>>) src(%dma_wait3A_66 : memref<100000x1024xf32, #tpu.memory_space<hbm>>) dst(%arg6 : memref<16x1024xf32, #tpu.memory_space<vmem>>)
      %mul3A_67 = arith.constant 16 : i32
      %mul3A_68 = arith.muli %add3A_56, %mul3A_67 : i32
      %add3A_69 = arith.addi %mul3A_2, %mul3A_68 : i32
      %dma_start3A_70 = arith.constant 0 : i32
      %dma_start3A_71 = tpu.memref_slice %arg4[%add3A_69, %dma_start3A_70] : memref<16384x1024xf32, #tpu.memory_space<hbm>> -> memref<16x1024xf32, #tpu.memory_space<hbm>>
      %dma_start3A_72 = arith.constant 0 : i32
      %dma_start3A_73 = tpu.memref_slice %arg4[%add3A_69, %dma_start3A_72] : memref<16384x1024xf32, #tpu.memory_space<hbm>> -> memref<16x1024xf32, #tpu.memory_space<hbm>>
      tpu.enqueue_dma source(%arg6 : memref<16x1024xf32, #tpu.memory_space<vmem>>) target(%dma_start3A_73 : memref<16x1024xf32, #tpu.memory_space<hbm>>) target_semaphore(%arg14 : memref<!tpu.dma_semaphore, #tpu.memory_space<semaphore_mem>>)
      %mul3A_74 = arith.constant 4 : i32
      %mul3A_75 = arith.muli %scan3A_52, %mul3A_74 : i32
      %add3A_76 = arith.constant 1 : i32
      %add3A_77 = arith.addi %mul3A_75, %add3A_76 : i32
      %lt3A = arith.constant 7 : i32
      %lt3A_78 = arith.cmpi slt, %scan3A_52, %lt3A : i32
      %convert_element_type3A_79 = arith.extui %lt3A_78 : i1 to i32
      %cond3A_80 = arith.constant 0 : i32
      %cond3A_81 = arith.cmpi ne, %convert_element_type3A_79, %cond3A_80 : i32
      scf.if %cond3A_81 {
        %dma_wait3A_145 = arith.constant 0 : i32
        %dma_wait3A_146 = tpu.memref_slice %arg4[%mul3A_2, %dma_wait3A_145] : memref<16384x1024xf32, #tpu.memory_space<hbm>> -> memref<16x1024xf32, #tpu.memory_space<hbm>>
        %dma_wait3A_147 = arith.constant 0 : i32
        %dma_wait3A_148 = tpu.memref_slice %arg4[%mul3A_2, %dma_wait3A_147] : memref<16384x1024xf32, #tpu.memory_space<hbm>> -> memref<16x1024xf32, #tpu.memory_space<hbm>>
        tpu.wait_dma2 semaphore(%arg14 : memref<!tpu.dma_semaphore, #tpu.memory_space<semaphore_mem>>) src(%arg6 : memref<16x1024xf32, #tpu.memory_space<vmem>>) dst(%dma_wait3A_148 : memref<16x1024xf32, #tpu.memory_space<hbm>>)
        %sub3A = arith.constant 1 : i32
        %sub3A_149 = arith.subi %add3A_77, %sub3A : i32
        %add3A_150 = arith.constant 4 : i32
        %add3A_151 = arith.addi %sub3A_149, %add3A_150 : i32
        %get3A_152 = arith.index_cast %add3A_151 : i32 to index
        %get3A_153 = arith.constant 0 : index
        %get3A_154 = tpu.vector_load %arg5[%get3A_152, %get3A_153] {strides = array<i32>} : memref<32x16xi32, #tpu.memory_space<vmem>>, vector<1x16xi32>,
        %get3A_155 = vector.shape_cast %get3A_154 : vector<1x16xi32> to vector<16xi32>
        %dma_start3A_156 = arith.constant 0 : i32
        %dma_start3A_157 = arith.constant 0 : i32
        %dma_start3A_158 = tpu.memref_slice %arg3[%dma_start3A_156, %dma_start3A_157] : memref<100000x1024xf32, #tpu.memory_space<hbm>> -> memref<100000x1024xf32, #tpu.memory_space<hbm>>
        tpu.enqueue_indirect_dma source(%dma_start3A_158 : memref<100000x1024xf32, #tpu.memory_space<hbm>>) target(%arg6 : memref<16x1024xf32, #tpu.memory_space<vmem>>) offsets(%get3A_155 : vector<16xi32>) semaphore(%arg10 : memref<!tpu.dma_semaphore, #tpu.memory_space<semaphore_mem>>)
      } else {
      }
      %get3A_82 = arith.constant 0 : i32
      %get3A_83 = arith.index_cast %get3A_82 : i32 to index
      %get3A_84 = arith.constant 0 : index
      %get3A_85 = tpu.vector_load %arg5[%get3A_83, %get3A_84] {strides = array<i32>} : memref<32x16xi32, #tpu.memory_space<vmem>>, vector<1x16xi32>,
      %get3A_86 = vector.shape_cast %get3A_85 : vector<1x16xi32> to vector<16xi32>
      %dma_wait3A_87 = arith.constant 0 : i32
      %dma_wait3A_88 = arith.constant 0 : i32
      %dma_wait3A_89 = tpu.memref_slice %arg3[%dma_wait3A_87, %dma_wait3A_88] : memref<100000x1024xf32, #tpu.memory_space<hbm>> -> memref<100000x1024xf32, #tpu.memory_space<hbm>>
      tpu.wait_indirect_dma semaphore(%arg11 : memref<!tpu.dma_semaphore, #tpu.memory_space<semaphore_mem>>) src(%dma_wait3A_89 : memref<100000x1024xf32, #tpu.memory_space<hbm>>) dst(%arg7 : memref<16x1024xf32, #tpu.memory_space<vmem>>)
      %mul3A_90 = arith.constant 16 : i32
      %mul3A_91 = arith.muli %add3A_77, %mul3A_90 : i32
      %add3A_92 = arith.addi %mul3A_2, %mul3A_91 : i32
      %dma_start3A_93 = arith.constant 0 : i32
      %dma_start3A_94 = tpu.memref_slice %arg4[%add3A_92, %dma_start3A_93] : memref<16384x1024xf32, #tpu.memory_space<hbm>> -> memref<16x1024xf32, #tpu.memory_space<hbm>>
      %dma_start3A_95 = arith.constant 0 : i32
      %dma_start3A_96 = tpu.memref_slice %arg4[%add3A_92, %dma_start3A_95] : memref<16384x1024xf32, #tpu.memory_space<hbm>> -> memref<16x1024xf32, #tpu.memory_space<hbm>>
      tpu.enqueue_dma source(%arg7 : memref<16x1024xf32, #tpu.memory_space<vmem>>) target(%dma_start3A_96 : memref<16x1024xf32, #tpu.memory_space<hbm>>) target_semaphore(%arg15 : memref<!tpu.dma_semaphore, #tpu.memory_space<semaphore_mem>>)
      %mul3A_97 = arith.constant 4 : i32
      %mul3A_98 = arith.muli %scan3A_52, %mul3A_97 : i32
      %add3A_99 = arith.constant 2 : i32
      %add3A_100 = arith.addi %mul3A_98, %add3A_99 : i32
      %lt3A_101 = arith.constant 7 : i32
      %lt3A_102 = arith.cmpi slt, %scan3A_52, %lt3A_101 : i32
      %convert_element_type3A_103 = arith.extui %lt3A_102 : i1 to i32
      %cond3A_104 = arith.constant 0 : i32
      %cond3A_105 = arith.cmpi ne, %convert_element_type3A_103, %cond3A_104 : i32
      scf.if %cond3A_105 {
        %dma_wait3A_145 = arith.constant 0 : i32
        %dma_wait3A_146 = tpu.memref_slice %arg4[%mul3A_2, %dma_wait3A_145] : memref<16384x1024xf32, #tpu.memory_space<hbm>> -> memref<16x1024xf32, #tpu.memory_space<hbm>>
        %dma_wait3A_147 = arith.constant 0 : i32
        %dma_wait3A_148 = tpu.memref_slice %arg4[%mul3A_2, %dma_wait3A_147] : memref<16384x1024xf32, #tpu.memory_space<hbm>> -> memref<16x1024xf32, #tpu.memory_space<hbm>>
        tpu.wait_dma2 semaphore(%arg15 : memref<!tpu.dma_semaphore, #tpu.memory_space<semaphore_mem>>) src(%arg7 : memref<16x1024xf32, #tpu.memory_space<vmem>>) dst(%dma_wait3A_148 : memref<16x1024xf32, #tpu.memory_space<hbm>>)
        %sub3A = arith.constant 1 : i32
        %sub3A_149 = arith.subi %add3A_100, %sub3A : i32
        %add3A_150 = arith.constant 4 : i32
        %add3A_151 = arith.addi %sub3A_149, %add3A_150 : i32
        %get3A_152 = arith.index_cast %add3A_151 : i32 to index
        %get3A_153 = arith.constant 0 : index
        %get3A_154 = tpu.vector_load %arg5[%get3A_152, %get3A_153] {strides = array<i32>} : memref<32x16xi32, #tpu.memory_space<vmem>>, vector<1x16xi32>,
        %get3A_155 = vector.shape_cast %get3A_154 : vector<1x16xi32> to vector<16xi32>
        %dma_start3A_156 = arith.constant 0 : i32
        %dma_start3A_157 = arith.constant 0 : i32
        %dma_start3A_158 = tpu.memref_slice %arg3[%dma_start3A_156, %dma_start3A_157] : memref<100000x1024xf32, #tpu.memory_space<hbm>> -> memref<100000x1024xf32, #tpu.memory_space<hbm>>
        tpu.enqueue_indirect_dma source(%dma_start3A_158 : memref<100000x1024xf32, #tpu.memory_space<hbm>>) target(%arg7 : memref<16x1024xf32, #tpu.memory_space<vmem>>) offsets(%get3A_155 : vector<16xi32>) semaphore(%arg11 : memref<!tpu.dma_semaphore, #tpu.memory_space<semaphore_mem>>)
      } else {
      }
      %get3A_106 = arith.constant 0 : i32
      %get3A_107 = arith.index_cast %get3A_106 : i32 to index
      %get3A_108 = arith.constant 0 : index
      %get3A_109 = tpu.vector_load %arg5[%get3A_107, %get3A_108] {strides = array<i32>} : memref<32x16xi32, #tpu.memory_space<vmem>>, vector<1x16xi32>,
      %get3A_110 = vector.shape_cast %get3A_109 : vector<1x16xi32> to vector<16xi32>
      %dma_wait3A_111 = arith.constant 0 : i32
      %dma_wait3A_112 = arith.constant 0 : i32
      %dma_wait3A_113 = tpu.memref_slice %arg3[%dma_wait3A_111, %dma_wait3A_112] : memref<100000x1024xf32, #tpu.memory_space<hbm>> -> memref<100000x1024xf32, #tpu.memory_space<hbm>>
      tpu.wait_indirect_dma semaphore(%arg12 : memref<!tpu.dma_semaphore, #tpu.memory_space<semaphore_mem>>) src(%dma_wait3A_113 : memref<100000x1024xf32, #tpu.memory_space<hbm>>) dst(%arg8 : memref<16x1024xf32, #tpu.memory_space<vmem>>)
      %mul3A_114 = arith.constant 16 : i32
      %mul3A_115 = arith.muli %add3A_100, %mul3A_114 : i32
      %add3A_116 = arith.addi %mul3A_2, %mul3A_115 : i32
      %dma_start3A_117 = arith.constant 0 : i32
      %dma_start3A_118 = tpu.memref_slice %arg4[%add3A_116, %dma_start3A_117] : memref<16384x1024xf32, #tpu.memory_space<hbm>> -> memref<16x1024xf32, #tpu.memory_space<hbm>>
      %dma_start3A_119 = arith.constant 0 : i32
      %dma_start3A_120 = tpu.memref_slice %arg4[%add3A_116, %dma_start3A_119] : memref<16384x1024xf32, #tpu.memory_space<hbm>> -> memref<16x1024xf32, #tpu.memory_space<hbm>>
      tpu.enqueue_dma source(%arg8 : memref<16x1024xf32, #tpu.memory_space<vmem>>) target(%dma_start3A_120 : memref<16x1024xf32, #tpu.memory_space<hbm>>) target_semaphore(%arg16 : memref<!tpu.dma_semaphore, #tpu.memory_space<semaphore_mem>>)
      %mul3A_121 = arith.constant 4 : i32
      %mul3A_122 = arith.muli %scan3A_52, %mul3A_121 : i32
      %add3A_123 = arith.constant 3 : i32
      %add3A_124 = arith.addi %mul3A_122, %add3A_123 : i32
      %lt3A_125 = arith.constant 7 : i32
      %lt3A_126 = arith.cmpi slt, %scan3A_52, %lt3A_125 : i32
      %convert_element_type3A_127 = arith.extui %lt3A_126 : i1 to i32
      %cond3A_128 = arith.constant 0 : i32
      %cond3A_129 = arith.cmpi ne, %convert_element_type3A_127, %cond3A_128 : i32
      scf.if %cond3A_129 {
        %dma_wait3A_145 = arith.constant 0 : i32
        %dma_wait3A_146 = tpu.memref_slice %arg4[%mul3A_2, %dma_wait3A_145] : memref<16384x1024xf32, #tpu.memory_space<hbm>> -> memref<16x1024xf32, #tpu.memory_space<hbm>>
        %dma_wait3A_147 = arith.constant 0 : i32
        %dma_wait3A_148 = tpu.memref_slice %arg4[%mul3A_2, %dma_wait3A_147] : memref<16384x1024xf32, #tpu.memory_space<hbm>> -> memref<16x1024xf32, #tpu.memory_space<hbm>>
        tpu.wait_dma2 semaphore(%arg16 : memref<!tpu.dma_semaphore, #tpu.memory_space<semaphore_mem>>) src(%arg8 : memref<16x1024xf32, #tpu.memory_space<vmem>>) dst(%dma_wait3A_148 : memref<16x1024xf32, #tpu.memory_space<hbm>>)
        %sub3A = arith.constant 1 : i32
        %sub3A_149 = arith.subi %add3A_124, %sub3A : i32
        %add3A_150 = arith.constant 4 : i32
        %add3A_151 = arith.addi %sub3A_149, %add3A_150 : i32
        %get3A_152 = arith.index_cast %add3A_151 : i32 to index
        %get3A_153 = arith.constant 0 : index
        %get3A_154 = tpu.vector_load %arg5[%get3A_152, %get3A_153] {strides = array<i32>} : memref<32x16xi32, #tpu.memory_space<vmem>>, vector<1x16xi32>,
        %get3A_155 = vector.shape_cast %get3A_154 : vector<1x16xi32> to vector<16xi32>
        %dma_start3A_156 = arith.constant 0 : i32
        %dma_start3A_157 = arith.constant 0 : i32
        %dma_start3A_158 = tpu.memref_slice %arg3[%dma_start3A_156, %dma_start3A_157] : memref<100000x1024xf32, #tpu.memory_space<hbm>> -> memref<100000x1024xf32, #tpu.memory_space<hbm>>
        tpu.enqueue_indirect_dma source(%dma_start3A_158 : memref<100000x1024xf32, #tpu.memory_space<hbm>>) target(%arg8 : memref<16x1024xf32, #tpu.memory_space<vmem>>) offsets(%get3A_155 : vector<16xi32>) semaphore(%arg12 : memref<!tpu.dma_semaphore, #tpu.memory_space<semaphore_mem>>)
      } else {
      }
      %get3A_130 = arith.constant 0 : i32
      %get3A_131 = arith.index_cast %get3A_130 : i32 to index
      %get3A_132 = arith.constant 0 : index
      %get3A_133 = tpu.vector_load %arg5[%get3A_131, %get3A_132] {strides = array<i32>} : memref<32x16xi32, #tpu.memory_space<vmem>>, vector<1x16xi32>,
      %get3A_134 = vector.shape_cast %get3A_133 : vector<1x16xi32> to vector<16xi32>
      %dma_wait3A_135 = arith.constant 0 : i32
      %dma_wait3A_136 = arith.constant 0 : i32
      %dma_wait3A_137 = tpu.memref_slice %arg3[%dma_wait3A_135, %dma_wait3A_136] : memref<100000x1024xf32, #tpu.memory_space<hbm>> -> memref<100000x1024xf32, #tpu.memory_space<hbm>>
      tpu.wait_indirect_dma semaphore(%arg13 : memref<!tpu.dma_semaphore, #tpu.memory_space<semaphore_mem>>) src(%dma_wait3A_137 : memref<100000x1024xf32, #tpu.memory_space<hbm>>) dst(%arg9 : memref<16x1024xf32, #tpu.memory_space<vmem>>)
      %mul3A_138 = arith.constant 16 : i32
      %mul3A_139 = arith.muli %add3A_124, %mul3A_138 : i32
      %add3A_140 = arith.addi %mul3A_2, %mul3A_139 : i32
      %dma_start3A_141 = arith.constant 0 : i32
      %dma_start3A_142 = tpu.memref_slice %arg4[%add3A_140, %dma_start3A_141] : memref<16384x1024xf32, #tpu.memory_space<hbm>> -> memref<16x1024xf32, #tpu.memory_space<hbm>>
      %dma_start3A_143 = arith.constant 0 : i32
      %dma_start3A_144 = tpu.memref_slice %arg4[%add3A_140, %dma_start3A_143] : memref<16384x1024xf32, #tpu.memory_space<hbm>> -> memref<16x1024xf32, #tpu.memory_space<hbm>>
      tpu.enqueue_dma source(%arg9 : memref<16x1024xf32, #tpu.memory_space<vmem>>) target(%dma_start3A_144 : memref<16x1024xf32, #tpu.memory_space<hbm>>) target_semaphore(%arg17 : memref<!tpu.dma_semaphore, #tpu.memory_space<semaphore_mem>>)
    }
    %scan3A_36 = arith.constant 8 : i32
    %dma_wait3A = arith.constant 0 : i32
    %dma_wait3A_37 = tpu.memref_slice %arg4[%mul3A_2, %dma_wait3A] : memref<16384x1024xf32, #tpu.memory_space<hbm>> -> memref<16x1024xf32, #tpu.memory_space<hbm>>
    %dma_wait3A_38 = arith.constant 0 : i32
    %dma_wait3A_39 = tpu.memref_slice %arg4[%mul3A_2, %dma_wait3A_38] : memref<16384x1024xf32, #tpu.memory_space<hbm>> -> memref<16x1024xf32, #tpu.memory_space<hbm>>
    tpu.wait_dma2 semaphore(%arg14 : memref<!tpu.dma_semaphore, #tpu.memory_space<semaphore_mem>>) src(%arg6 : memref<16x1024xf32, #tpu.memory_space<vmem>>) dst(%dma_wait3A_39 : memref<16x1024xf32, #tpu.memory_space<hbm>>)
    %dma_wait3A_40 = arith.constant 0 : i32
    %dma_wait3A_41 = tpu.memref_slice %arg4[%mul3A_2, %dma_wait3A_40] : memref<16384x1024xf32, #tpu.memory_space<hbm>> -> memref<16x1024xf32, #tpu.memory_space<hbm>>
    %dma_wait3A_42 = arith.constant 0 : i32
    %dma_wait3A_43 = tpu.memref_slice %arg4[%mul3A_2, %dma_wait3A_42] : memref<16384x1024xf32, #tpu.memory_space<hbm>> -> memref<16x1024xf32, #tpu.memory_space<hbm>>
    tpu.wait_dma2 semaphore(%arg15 : memref<!tpu.dma_semaphore, #tpu.memory_space<semaphore_mem>>) src(%arg7 : memref<16x1024xf32, #tpu.memory_space<vmem>>) dst(%dma_wait3A_43 : memref<16x1024xf32, #tpu.memory_space<hbm>>)
    %dma_wait3A_44 = arith.constant 0 : i32
    %dma_wait3A_45 = tpu.memref_slice %arg4[%mul3A_2, %dma_wait3A_44] : memref<16384x1024xf32, #tpu.memory_space<hbm>> -> memref<16x1024xf32, #tpu.memory_space<hbm>>
    %dma_wait3A_46 = arith.constant 0 : i32
    %dma_wait3A_47 = tpu.memref_slice %arg4[%mul3A_2, %dma_wait3A_46] : memref<16384x1024xf32, #tpu.memory_space<hbm>> -> memref<16x1024xf32, #tpu.memory_space<hbm>>
    tpu.wait_dma2 semaphore(%arg16 : memref<!tpu.dma_semaphore, #tpu.memory_space<semaphore_mem>>) src(%arg8 : memref<16x1024xf32, #tpu.memory_space<vmem>>) dst(%dma_wait3A_47 : memref<16x1024xf32, #tpu.memory_space<hbm>>)
    %dma_wait3A_48 = arith.constant 0 : i32
    %dma_wait3A_49 = tpu.memref_slice %arg4[%mul3A_2, %dma_wait3A_48] : memref<16384x1024xf32, #tpu.memory_space<hbm>> -> memref<16x1024xf32, #tpu.memory_space<hbm>>
    %dma_wait3A_50 = arith.constant 0 : i32
    %dma_wait3A_51 = tpu.memref_slice %arg4[%mul3A_2, %dma_wait3A_50] : memref<16384x1024xf32, #tpu.memory_space<hbm>> -> memref<16x1024xf32, #tpu.memory_space<hbm>>
    tpu.wait_dma2 semaphore(%arg17 : memref<!tpu.dma_semaphore, #tpu.memory_space<semaphore_mem>>) src(%arg9 : memref<16x1024xf32, #tpu.memory_space<vmem>>) dst(%dma_wait3A_51 : memref<16x1024xf32, #tpu.memory_space<hbm>>)
    return
  }
}

</mosaic_0001>

<sc_bundles>
// kernel: kernel.3.cloned.1.call-start
scs
__scs_entry_jumppad:
0x0: {  	(pc) =	sbr.rel $0x88, $3  }
0x1: {  	(tag) =	ssettag $0x0;
	lr =	simm.s32 $0x1  }
0x2: {  	[smem:$0x3F9C] =	sst lr;
	_ =	strace $0xD0000000  }
0x3: {  	_ = 	snop  }
0x4: {  	_ = 	snop  }
0x5: {  	_ = 	snop  }
0x6: {  	_ = 	snop  }
0x7: {  	_ = 	snop  }
__scs_overlays_trampoline_lowered:
0x8: {  	[smem:$0x3FAB] =	sst s0  }
0x9: {  	[smem:$0x3FAC] =	sst s1  }
0xa: {  	[smem:$0x3FAD] =	sst s2  }
0xb: {  	[smem:$0x3FAE] =	sst s3  }
0xc: {  	[smem:$0x3FAF] =	sst s4  }
0xd: {  	[smem:$0x3FB0] =	sst s5  }
0xe: {  	[smem:$0x3FB1] =	sst s6  }
0xf: {  	[smem:$0x3FB2] =	sst s7  }
0x10: {  	[smem:$0x3FB3] =	sst s8  }
0x11: {  	[smem:$0x3FB4] =	sst s9;
	s0 =	simm.s32 @!p0 $0x0  }
0x12: {  	s1 =	sld [smem:$0x3F9A];
	s0 =	simm.s32 @p0 $0x1  }
0x13: {  	[smem:$0x3FB5] =	sst s0;
	s0 =	simm.s32 @!p1 $0x0  }
0x14: {  	s2 =	sld [smem:$0x3F99];
	s0 =	simm.s32 @p1 $0x1  }
0x15: {  	[smem:$0x3FB6] =	sst s0;
	s0 =	simm.s32 @!p2 $0x0  }
0x16: {  	s3 =	sld [smem:$0x3FDB];
	s0 =	simm.s32 @p2 $0x1  }
0x17: {  	s4 =	simm.s32 $0x1BF5;
	[smem:$0x3FB8] =	sst s0  }
0x18: {  	s0 =	sld [smem:$0x3F9B];
	_ =	swait.ge [sflag:s4], $0x0  }
0x19: {  	s7 =	sld [smem:$0x3F9C]  }
0x1a: {  	s8 =	sadd.s32 $0xFFFFE003, lr  }
0x1b: {  	s9 =	sadd.s32 $0xFFFFFEF7, lr;
	s5 =	simm.s32 $0xFFFFFFFF;
	p2 =	slt.u32 s8, $0xFFFFF086  }
0x1c: {  	p1 =	slt.u32 s9, $0xF7A;
	s5 =	simm.s32 @!p2 $0x0  }
0x1d: {  	s5 =	simm.s32 @p1 $0x1;
	p0 =	seq.s32 s7, s2  }
0x1e: {  	s7 =	smul.u32 @!p0 $0xF7A, s2;
	p2 =	seq.s32 @!p0 s5, $0x0  }
0x1f: {  	s9 =	smul.u32 $0xF7A, s1;
	s8 =	simm.s32 @!p0 $0x1BF5;
	p2 =	por !p2, p0  }
0x20: {  	[sflag:s8] =	ssyncset.s32 @!p0 $0xFFFFF086;
	s6 =	sadd.s32 @!p0 s3, s7;
	s7 =	simm.s32 @!p0 $0x108  }
0x21: {  	s3 =	sadd.s32 s3, s9;
	s6 =	sadd.s32 @!p0 $0x88, s6;
	s7 =	simm.s32 @p2 $0x1082  }
0x22: {  	[simem:s7], [sflag:s8] =	dma.local @!p0 [hbm:s6], $0xF7A  }
0x23: {  	s9 =	sor.u32 $0xD0000000, s2;
	s6 =	simm.s32 $0x108;
	_ =	swait.ge @!p0 [sflag:s8], $0x0  }
0x24: {  	s3 =	sadd.s32 $0x88, s3;
	s6 =	simm.s32 @!p1 $0x1082;
	[sflag:s4] =	ssyncset.s32 $0xFFFFF086  }
0x25: {  	[simem:s6], [sflag:s4] =	dma.local [hbm:s3], $0xF7A  }
0x26: {  	[smem:$0x3F9C] =	sst s1;
	(tag) =	ssettag s2;
	_ =	strace s9  }
0x27: {  	s1 =	sld [smem:$0x3FAC]  }
0x28: {  	s2 =	sld [smem:$0x3FAD]  }
0x29: {  	s4 =	sld [smem:$0x3FAF]  }
0x2a: {  	p0 =	seq.s32 s5, $0x0;
	s5 =	sld [smem:$0x3FB0]  }
0x2b: {  	s6 =	sld [smem:$0x3FB1]  }
0x2c: {  	s7 =	sld [smem:$0x3FB2]  }
0x2d: {  	s3 =	simm.s32 $0x108;
	s8 =	sld [smem:$0x3FB3]  }
0x2e: {  	s3 =	simm.s32 @!p0 $0x1082;
	s9 =	sld [smem:$0x3FB4]  }
0x2f: {  	lr =	sadd.s32 s0, s3;
	s0 =	sld [smem:$0x3FAB]  }
0x30: {  	s3 =	sld [smem:$0x3FAE]  }
0x31: {  	[smem:$0x3FB7] =	sst s10  }
0x32: {  	s10 =	sld [smem:$0x3FB5];
	_ =	sdelay $0x3  }
0x33: {  	p0 =	seq.s32 s10, $0x1;
	s10 =	sld [smem:$0x3FB7];
	_ =	sdelay $0x3  }
0x34: {  	[smem:$0x3FB7] =	sst s10  }
0x35: {  	s10 =	sld [smem:$0x3FB6];
	_ =	sdelay $0x3  }
0x36: {  	p1 =	seq.s32 s10, $0x1;
	s10 =	sld [smem:$0x3FB7];
	_ =	sdelay $0x3  }
0x37: {  	[smem:$0x3FB7] =	sst s10  }
0x38: {  	s10 =	sld [smem:$0x3FB8]  }
0x39: {  	_ = 	snop;
	(pc) =	sbr.ind lr, $3  }
0x3a: {  	_ = 	snop  }
0x3b: {  	_ = 	snop  }
0x3c: {  	p2 =	seq.s32 s10, $0x1;
	s10 =	sld [smem:$0x3FB7]  }
0x3d: {  	_ =	shalt  }
0x3e: {  	_ =	shalt  }
0x3f: {  	_ =	shalt  }
0x40: {  	_ =	shalt  }
0x41: {  	_ =	shalt  }
0x42: {  	_ =	shalt  }
0x43: {  	_ =	shalt  }
0x44: {  	_ =	shalt  }
0x45: {  	_ =	shalt  }
0x46: {  	_ =	shalt  }
0x47: {  	_ =	shalt  }
0x48: {  	_ =	shalt  }
0x49: {  	_ =	shalt  }
0x4a: {  	_ =	shalt  }
0x4b: {  	_ =	shalt  }
0x4c: {  	_ =	shalt  }
0x4d: {  	_ =	shalt  }
0x4e: {  	_ =	shalt  }
0x4f: {  	_ =	shalt  }
0x50: {  	_ =	shalt  }
0x51: {  	_ =	shalt  }
0x52: {  	_ =	shalt  }
0x53: {  	_ =	shalt  }
0x54: {  	_ =	shalt  }
0x55: {  	_ =	shalt  }
0x56: {  	_ =	shalt  }
0x57: {  	_ =	shalt  }
0x58: {  	_ =	shalt  }
0x59: {  	_ =	shalt  }
0x5a: {  	_ =	shalt  }
0x5b: {  	_ =	shalt  }
0x5c: {  	_ =	shalt  }
0x5d: {  	_ =	shalt  }
0x5e: {  	_ =	shalt  }
0x5f: {  	_ =	shalt  }
0x60: {  	_ =	shalt  }
0x61: {  	_ =	shalt  }
0x62: {  	_ =	shalt  }
0x63: {  	_ =	shalt  }
0x64: {  	_ =	shalt  }
0x65: {  	_ =	shalt  }
0x66: {  	_ =	shalt  }
0x67: {  	_ =	shalt  }
0x68: {  	_ =	shalt  }
0x69: {  	_ =	shalt  }
0x6a: {  	_ =	shalt  }
0x6b: {  	_ =	shalt  }
0x6c: {  	_ =	shalt  }
0x6d: {  	_ =	shalt  }
0x6e: {  	_ =	shalt  }
0x6f: {  	_ =	shalt  }
0x70: {  	_ =	shalt  }
0x71: {  	_ =	shalt  }
0x72: {  	_ =	shalt  }
0x73: {  	_ =	shalt  }
0x74: {  	_ =	shalt  }
0x75: {  	_ =	shalt  }
0x76: {  	_ =	shalt  }
0x77: {  	_ =	shalt  }
0x78: {  	_ =	shalt  }
0x79: {  	_ =	shalt  }
0x7a: {  	_ =	shalt  }
0x7b: {  	_ =	shalt  }
0x7c: {  	_ =	shalt  }
0x7d: {  	_ =	shalt  }
0x7e: {  	_ =	shalt  }
0x7f: {  	_ =	shalt  }
0x80: {  	_ =	shalt  }
0x81: {  	_ =	shalt  }
0x82: {  	_ =	shalt  }
0x83: {  	_ =	shalt  }
0x84: {  	_ =	shalt  }
0x85: {  	_ =	shalt  }
0x86: {  	_ =	shalt  }
0x87: {  	_ =	shalt  }
.Lfunc_end0:
.L_simem_size_0:
called_computation_lowered:
.L_overlay_start_0:
0x88: {  	s2 =	sld [smem:$0x3FD9]  }
0x89: {  	s3 =	sld [smem:$0x3FFE];
	_ =	sdelay $0x1  }
0x8a: {  	s1 =	srdreg.scid  }
0x8b: {  	s0 =	sand.u32 $0x1, s1  }
0x8c: {  	s14 =	sshll.u32 s0, $0xA;
	s2 =	sadd.s32 s3, s2  }
0x8d: {  	s2 =	sadd.s32 s2, s14  }
0x8e: {  	[smem:$0x3FC3] =	sst s2  }
0x8f: {  	_ = 	snop  }
0x90: {  	s2 =	sld [smem:$0x3FD0];
	_ =	sdelay $0x2  }
0x91: {  	s4 =	simm.s32 $0xA;
	s5 =	simm.s32 $0x10;
	s15 =	sld [smem:$0x3FC5]  }
0x92: {  	[smem:s5], [sflag:s4] =	dma.local [hbm:s2], $0x1  }
0x93: {  	_ =	swait.eq [sflag:s4], $0x1  }
0x94: {  	[sflag:s4] =	ssyncset.done $0x0  }
0x95: {  	[sflag:s4] =	ssyncadd.s32 $0xFFFFFFFF  }
0x96: {  	s16 =	sld [smem:$0x10];
	(tm) =	ssettm $0x1  }
0x97: {  	s17 =	sld [smem:$0x3FFB];
	_ =	sdelay $0x3  }
0x98: {  	_ =	strace s17  }
0x99: {  	s4 =	sld [smem:$0x3FFC];
	_ =	sdelay $0x3  }
0x9a: {  	_ =	strace s4  }
0x9b: {  	s4 =	sld [smem:$0x3FFD];
	_ =	sdelay $0x3  }
0x9c: {  	_ =	strace s4  }
0x9d: {  	_ =	strace $0x8FFFFFFF  }
0x9e: {  	s18 =	sld [smem:$0x3FDB];
	_ =	sdelay $0x1  }
0x9f: {  	s19 =	simm.s32 $_scs_section_size  }
0xa0: {  	s6 =	simm.s32 $_size__tile_overlayer_lowered;
	s7 =	simm.s32 $_tile_overlayer_lowered  }
0xa1: {  	s22 =	simm.s32 $0x1BFF;
	s21 =	sshll.u32 s7, $0x1;
	s4 =	sadd.s32 s19, s18  }
0xa2: {  	s8 =	simm.s32 $0x0;
	s20 =	sshll.u32 s6, $0x1;
	s6 =	sadd.s32 s21, s4  }
0xa3: {  	[timem:s8], [sflag:s22] =	dma.local [hbm:s6], s20  }
0xa4: {  	_ =	swait.ge [sflag:s22], s20  }
0xa5: {  	s5 =	ssub.s32 $0x0, s20;
	[sflag:s22] =	ssyncset.done $0x0  }
0xa6: {  	[sflag:s22] =	ssyncadd.s32 s5;
	_ =	sdelay $0x1  }
0xa7: {  	s23 =	simm.s32 $0x1B8B  }
0xa8: {  	_ =	swait.ge [sflag:s23], $0x1  }
0xa9: {  	[sflag:s23] =	ssyncset.done $0x0  }
0xaa: {  	s25 =	simm.s32 $0x1B8E;
	s24 =	sld [smem:$0x3FFE];
	[sflag:s23] =	ssyncadd.s32 $0xFFFFFFFF  }
0xab: {  	s26 =	simm.s32 $execute0_lowered;
	[smem:$0x3FD2] =	sst s25  }
0xac: {  	s6 =	sshll.u32 s26, $0x1;
	_ =	strace $0x80000046;
	[dreg:$0x1] =	wrdreg $0xFFFFFFFF  }
0xad: {  	s28 =	simm.s32 $_size_execute0_lowered;
	s4 =	sadd.s32 s4, s6;
	[dreg:$0x0] =	wrdreg $0x0  }
0xae: {  	s6 =	sshll.u32 s28, $0x1;
	[dreg:$0x2] =	wrdreg s4  }
0xaf: {  	[dreg:$0x3] =	wrdreg s6  }
0xb0: {  	[dreg:$0x4] =	wrdreg $0xC0  }
0xb1: {  	_ =	task [dreg:s8], $0x5FFFF  }
0xb2: {  	[dreg:$0x1] =	wrdreg $0xFFFFFFFF  }
0xb3: {  	[dreg:$0x0] =	wrdreg $0x60  }
0xb4: {  	[dreg:$0x2] =	wrdreg s24  }
0xb5: {  	[dreg:$0x3] =	wrdreg s15  }
0xb6: {  	[dreg:$0x4] =	wrdreg s16  }
0xb7: {  	[dreg:$0x5] =	wrdreg $0x9  }
0xb8: {  	_ =	task.clear_ibuf [dreg:s8], $0x6FFFF;
	_ =	strace $0x90000046  }
0xb9: {  	s29 =	simm.s32 $0x9;
	_ =	strace $0x80000048  }
0xba: {  	_ =	swait.ge [sflag:s29], $0x1  }
0xbb: {  	[sflag:s29] =	ssyncadd.s32 $0xFFFFFFFF  }
0xbc: {  	_ =	strace $0x90000048  }
0xbd: {  	_ =	sfence  }
0xbe: {  	s30 =	sld [smem:$0x0];
	_ =	sdelay $0x2  }
0xbf: {  	s31 =	sshll.u32 s1, $0xD;
	s1 =	sshrl.u32 s1, $0x2  }
0xc0: {  	s3 =	sand.u32 $0x4000, s31;
	s1 =	sadd.s32 s1, s30  }
0xc1: {  	s0 =	sor.u32 s3, s0;
	s1 =	sshll.u32 s1, $0x11  }
0xc2: {  	s0 =	sor.u32 s1, s0  }
0xc3: {  	s0 =	sadd.s32 $0x8F2B, s0  }
0xc4: {  	[sflag:s0] =	ssyncadd.remote.s32 $0x1  }
0xc5: {  	_ =	sfence.sel $0xFFFF  }
0xc6: {  	[dreg:$0x0] =	wrdreg $0xFFFFFFFF;
	(pc) =	sbr.abs _section_cstart, $3  }
0xc7: {  	[dreg:$0x1] =	wrdreg $0xFFFFFFFF  }
0xc8: {  	_ =	task.clear_ibuf [dreg:s8], $0x2FFFF;
	_ =	strace $0x9FFFFFFF  }
0xc9: {  	(tm) =	ssettm $0x7FFFFFFF  }
tec
execute0_lowered:
.L_overlay_start_1:
0x0: {  	(tag) =	ssettag $0x1  }
0x1: {  	s0 =	rddreg [dreg:$0x0]  }
0x2: {  	s1 =	rddreg [dreg:$0x1]  }
0x3: {  	s2 =	rddreg [dreg:$0x2]  }
0x4: {  	s3 =	simm.s32 $0x0;
	s4 =	srdreg.scid;
	s9 =	stileid.u32  }
0x5: {  	s10 =	simm.s32 $0x1000;
	s18 =	simm.s32 $0x5000;
	s12 =	simm.s32 $0xD000  }
0x6: {  	s15 =	simm.s32 $0xE800;
	s16 =	simm.s32 $0xF000;
	s17 =	simm.s32 $0xF800  }
0x7: {  	s19 =	simm.s32 $0x10000;
	s20 =	simm.s32 $0x10800;
	s21 =	simm.s32 $0x1  }
0x8: {  	s28 =	simm.s32 $0x6;
	s29 =	simm.s32 $0x7;
	s30 =	simm.s32 $0x8  }
0x9: {  	s31 =	simm.s32 $0x0;
	[smem:$0x7FF] =	sst s3;
	s5 =	sand.u32 $0x1, s4  }
0xa: {  	s22 =	sshll.u32 s9, $0xA;
	s24 =	sshll.u32 s9, $0x11;
	s9 =	simm.s32 $0x9  }
0xb: {  	s6 =	sshll.u32 s5, $0x9;
	s7 =	ssub.s32 $0x2, s5;
	_ =	strace $0x80000047  }
0xc: {  	s25 =	sadd.s32 s24, s2;
	s26 =	sshll.u32 s5, $0x10;
	s5 =	sadd.s32 $0x100, s1  }
0xd: {  	s24 =	simm.s32 $0x4;
	s4 =	sor.u32 s6, s22;
	s23 =	sshrl.u32 s7, $0x1  }
0xe: {  	s6 =	sadd.s32 $0x200, s1;
	s22 =	simm.s32 $0x2;
	s0 =	sadd.s32 s4, s0  }
0xf: {  	v2 =	vlaneseq.u32;
	s8 =	ssub.s32 s7, s23;
	s7 =	sadd.s32 $0x300, s1;
	s23 =	simm.s32 $0x3  }
0x10: {  	vm0 =	vmmov $0xffff;
	v1 =	vshrl.u32 v2, $0x3;
	s4 =	sadd.s32 $0xA00, s0;
	s0 =	sadd.s32 s26, s25;
	s8 =	smax.u32 s8, $0x1  }
0x11: {  	v0 =	vand.u32 $0x7, v2;
	v2 =	vor.u32 $0x8, v2;
	v1 =	vmul.u32 $0x8, v1;
	s26 =	simm.s32 $0x9000;
	s25 =	simm.s32 $0x5;
	[dreg:$0x4] =	wrdreg s0  }
.LBB2_1:
0x12: {  	[tilespmem:s3], [sflag:$0x9] =	stream.linear.gather [hbm4b:s4+s3], $0x1000, $0x38;
	[tilespmem:$0x11000] =	vst v63  }
0x13: {  	_ =	swait.ge [sflag:s9], $0x1000  }
0x14: {  	[sflag:s9] =	ssyncset.done $0x0  }
0x15: {  	[sflag:s9] =	ssyncadd.s32 $0xFFFFF000  }
0x16: {  	v3 =	vld [tilespmem:$0x0];
	_ =	sdelay $0x4  }
0x17: {  	v4 =	vshll.u32 v3, $0x3  }
0x18: {  	v3 =	vand.u32 $0x7, v3;
	v4 =	vand.u32 $0xFFFFFFC0, v4  }
0x19: {  	v3 =	vor.u32 v3, v4  }
0x1a: {  	v4 =	vperm.xlane v3, v0;
	_ =	sdelay $0x1  }
0x1b: {  	v4 =	vadd.s32 v1, v4;
	_ =	sdelay $0x4  }
0x1c: {  	[tilespmem:s10], [sflag:$0x1] =	stream.indirect_vreg.gather [hbm4b:s1+s3], $0x80, v4, vm0, $0xb8;
	[tilespmem:$0x11000] =	vst v63  }
0x1d: {  	s0 =	simm.s32 $0x1800;
	v3 =	vperm.xlane v3, v2  }
0x1e: {  	[tilespmem:s0], [sflag:$0x1] =	stream.indirect_vreg.gather [hbm4b:s5+s3], $0x80, v4, vm0, $0xb8;
	[tilespmem:$0x11000] =	vst v63  }
0x1f: {  	s13 =	simm.s32 $0x2000;
	v3 =	vadd.s32 v1, v3  }
0x20: {  	[tilespmem:s13], [sflag:$0x1] =	stream.indirect_vreg.gather [hbm4b:s6+s3], $0x80, v4, vm0, $0xb8;
	[tilespmem:$0x11000] =	vst v63  }
0x21: {  	s14 =	simm.s32 $0x2800  }
0x22: {  	[tilespmem:s14], [sflag:$0x1] =	stream.indirect_vreg.gather [hbm4b:s7+s3], $0x80, v4, vm0, $0xb8;
	[tilespmem:$0x11000] =	vst v63  }
0x23: {  	s2 =	simm.s32 $0x3000  }
0x24: {  	[tilespmem:s2], [sflag:$0x1] =	stream.indirect_vreg.gather [hbm4b:s1+s3], $0x80, v3, vm0, $0xb8;
	[tilespmem:$0x11000] =	vst v63  }
0x25: {  	s11 =	simm.s32 $0x3800  }
0x26: {  	[tilespmem:s11], [sflag:$0x1] =	stream.indirect_vreg.gather [hbm4b:s5+s3], $0x80, v3, vm0, $0xb8;
	[tilespmem:$0x11000] =	vst v63  }
0x27: {  	s13 =	simm.s32 $0x4000  }
0x28: {  	[tilespmem:s13], [sflag:$0x1] =	stream.indirect_vreg.gather [hbm4b:s6+s3], $0x80, v3, vm0, $0xb8;
	[tilespmem:$0x11000] =	vst v63  }
0x29: {  	s14 =	simm.s32 $0x4800  }
0x2a: {  	[tilespmem:s14], [sflag:$0x1] =	stream.indirect_vreg.gather [hbm4b:s7+s3], $0x80, v3, vm0, $0xb8;
	[tilespmem:$0x11000] =	vst v63  }
0x2b: {  	v3 =	vld [tilespmem:$0x80];
	_ =	sdelay $0x4  }
0x2c: {  	v61 =	vshll.u32 v3, $0x3  }
0x2d: {  	v3 =	vand.u32 $0x7, v3;
	v4 =	vand.u32 $0xFFFFFFC0, v61  }
0x2e: {  	v3 =	vor.u32 v3, v4  }
0x2f: {  	v4 =	vperm.xlane v3, v0;
	_ =	sdelay $0x1  }
0x30: {  	v4 =	vadd.s32 v1, v4;
	_ =	sdelay $0x4  }
0x31: {  	[tilespmem:s18], [sflag:$0x2] =	stream.indirect_vreg.gather [hbm4b:s1+s3], $0x80, v4, vm0, $0xb8;
	[tilespmem:$0x11000] =	vst v63  }
0x32: {  	s2 =	simm.s32 $0x5800;
	v3 =	vperm.xlane v3, v2  }
0x33: {  	[tilespmem:s2], [sflag:$0x2] =	stream.indirect_vreg.gather [hbm4b:s5+s3], $0x80, v4, vm0, $0xb8;
	[tilespmem:$0x11000] =	vst v63  }
0x34: {  	s11 =	simm.s32 $0x6000;
	v3 =	vadd.s32 v1, v3  }
0x35: {  	[tilespmem:s11], [sflag:$0x2] =	stream.indirect_vreg.gather [hbm4b:s6+s3], $0x80, v4, vm0, $0xb8;
	[tilespmem:$0x11000] =	vst v63  }
0x36: {  	s13 =	simm.s32 $0x6800  }
0x37: {  	[tilespmem:s13], [sflag:$0x2] =	stream.indirect_vreg.gather [hbm4b:s7+s3], $0x80, v4, vm0, $0xb8;
	[tilespmem:$0x11000] =	vst v63  }
0x38: {  	s14 =	simm.s32 $0x7000  }
0x39: {  	[tilespmem:s14], [sflag:$0x2] =	stream.indirect_vreg.gather [hbm4b:s1+s3], $0x80, v3, vm0, $0xb8;
	[tilespmem:$0x11000] =	vst v63  }
0x3a: {  	s2 =	simm.s32 $0x7800  }
0x3b: {  	[tilespmem:s2], [sflag:$0x2] =	stream.indirect_vreg.gather [hbm4b:s5+s3], $0x80, v3, vm0, $0xb8;
	[tilespmem:$0x11000] =	vst v63  }
0x3c: {  	s11 =	simm.s32 $0x8000  }
0x3d: {  	[tilespmem:s11], [sflag:$0x2] =	stream.indirect_vreg.gather [hbm4b:s6+s3], $0x80, v3, vm0, $0xb8;
	[tilespmem:$0x11000] =	vst v63  }
0x3e: {  	s13 =	simm.s32 $0x8800  }
0x3f: {  	[tilespmem:s13], [sflag:$0x2] =	stream.indirect_vreg.gather [hbm4b:s7+s3], $0x80, v3, vm0, $0xb8;
	[tilespmem:$0x11000] =	vst v63  }
0x40: {  	v3 =	vld [tilespmem:$0x100];
	_ =	sdelay $0x4  }
0x41: {  	v62 =	vshll.u32 v3, $0x3  }
0x42: {  	v3 =	vand.u32 $0x7, v3;
	v4 =	vand.u32 $0xFFFFFFC0, v62  }
0x43: {  	v3 =	vor.u32 v3, v4  }
0x44: {  	v4 =	vperm.xlane v3, v0;
	_ =	sdelay $0x1  }
0x45: {  	v4 =	vadd.s32 v1, v4;
	_ =	sdelay $0x4  }
0x46: {  	[tilespmem:s26], [sflag:$0x3] =	stream.indirect_vreg.gather [hbm4b:s1+s3], $0x80, v4, vm0, $0xb8;
	[tilespmem:$0x11000] =	vst v63  }
0x47: {  	s14 =	simm.s32 $0x9800;
	v3 =	vperm.xlane v3, v2  }
0x48: {  	[tilespmem:s14], [sflag:$0x3] =	stream.indirect_vreg.gather [hbm4b:s5+s3], $0x80, v4, vm0, $0xb8;
	[tilespmem:$0x11000] =	vst v63  }
0x49: {  	s2 =	simm.s32 $0xA000;
	v3 =	vadd.s32 v1, v3  }
0x4a: {  	[tilespmem:s2], [sflag:$0x3] =	stream.indirect_vreg.gather [hbm4b:s6+s3], $0x80, v4, vm0, $0xb8;
	[tilespmem:$0x11000] =	vst v63  }
0x4b: {  	s11 =	simm.s32 $0xA800  }
0x4c: {  	[tilespmem:s11], [sflag:$0x3] =	stream.indirect_vreg.gather [hbm4b:s7+s3], $0x80, v4, vm0, $0xb8;
	[tilespmem:$0x11000] =	vst v63  }
0x4d: {  	s13 =	simm.s32 $0xB000  }
0x4e: {  	[tilespmem:s13], [sflag:$0x3] =	stream.indirect_vreg.gather [hbm4b:s1+s3], $0x80, v3, vm0, $0xb8;
	[tilespmem:$0x11000] =	vst v63  }
0x4f: {  	s14 =	simm.s32 $0xB800  }
0x50: {  	[tilespmem:s14], [sflag:$0x3] =	stream.indirect_vreg.gather [hbm4b:s5+s3], $0x80, v3, vm0, $0xb8;
	[tilespmem:$0x11000] =	vst v63  }
0x51: {  	s2 =	simm.s32 $0xC000  }
0x52: {  	[tilespmem:s2], [sflag:$0x3] =	stream.indirect_vreg.gather [hbm4b:s6+s3], $0x80, v3, vm0, $0xb8;
	[tilespmem:$0x11000] =	vst v63  }
0x53: {  	s11 =	simm.s32 $0xC800  }
0x54: {  	[tilespmem:s11], [sflag:$0x3] =	stream.indirect_vreg.gather [hbm4b:s7+s3], $0x80, v3, vm0, $0xb8;
	[tilespmem:$0x11000] =	vst v63  }
0x55: {  	v3 =	vld [tilespmem:$0x180];
	_ =	sdelay $0x4  }
0x56: {  	v63 =	vshll.u32 v3, $0x3  }
0x57: {  	v3 =	vand.u32 $0x7, v3;
	v4 =	vand.u32 $0xFFFFFFC0, v63  }
0x58: {  	v3 =	vor.u32 v3, v4  }
0x59: {  	v4 =	vperm.xlane v3, v0;
	_ =	sdelay $0x1  }
0x5a: {  	v4 =	vadd.s32 v1, v4;
	_ =	sdelay $0x4  }
0x5b: {  	[tilespmem:s12], [sflag:$0x4] =	stream.indirect_vreg.gather [hbm4b:s1+s3], $0x80, v4, vm0, $0xb8;
	[tilespmem:$0x11000] =	vst v63  }
0x5c: {  	s13 =	simm.s32 $0xD800;
	v3 =	vperm.xlane v3, v2  }
0x5d: {  	[tilespmem:s13], [sflag:$0x4] =	stream.indirect_vreg.gather [hbm4b:s5+s3], $0x80, v4, vm0, $0xb8;
	[tilespmem:$0x11000] =	vst v63  }
0x5e: {  	s14 =	simm.s32 $0xE000;
	v3 =	vadd.s32 v1, v3  }
0x5f: {  	[tilespmem:s14], [sflag:$0x4] =	stream.indirect_vreg.gather [hbm4b:s6+s3], $0x80, v4, vm0, $0xb8;
	[tilespmem:$0x11000] =	vst v63  }
0x60: {  	_ = 	snop  }
0x61: {  	[tilespmem:s15], [sflag:$0x4] =	stream.indirect_vreg.gather [hbm4b:s7+s3], $0x80, v4, vm0, $0xb8;
	[tilespmem:$0x11000] =	vst v63  }
0x62: {  	_ = 	snop  }
0x63: {  	[tilespmem:s16], [sflag:$0x4] =	stream.indirect_vreg.gather [hbm4b:s1+s3], $0x80, v3, vm0, $0xb8;
	[tilespmem:$0x11000] =	vst v63  }
0x64: {  	_ = 	snop  }
0x65: {  	[tilespmem:s17], [sflag:$0x4] =	stream.indirect_vreg.gather [hbm4b:s5+s3], $0x80, v3, vm0, $0xb8;
	[tilespmem:$0x11000] =	vst v63  }
0x66: {  	_ = 	snop  }
0x67: {  	[tilespmem:s19], [sflag:$0x4] =	stream.indirect_vreg.gather [hbm4b:s6+s3], $0x80, v3, vm0, $0xb8;
	[tilespmem:$0x11000] =	vst v63  }
0x68: {  	s0 =	simm.s32 $0x300;
	s2 =	simm.s32 $0x0  }
0x69: {  	[tilespmem:s20], [sflag:$0x4] =	stream.indirect_vreg.gather [hbm4b:s7+s3], $0x80, v3, vm0, $0xb8;
	[tilespmem:$0x11000] =	vst v63  }
.LBB2_2:
0x6a: {  	p0 =	seq.s32 s2, $0x0  }
0x6b: {  	s11 =	simm.s32 @!p0 $0x8  }
0x6c: {  	_ =	swait.ge @!p0 [sflag:s11], $0x4000  }
0x6d: {  	[sflag:s11] =	ssyncset.done @!p0 $0x0  }
0x6e: {  	[sflag:s11] =	ssyncadd.s32 @!p0 $0xFFFFC000  }
0x6f: {  	v3 =	vld @!p0 [tilespmem:s0+$0xFFFFFE80];
	_ =	sdelay $0x4  }
0x70: {  	v4 =	vshll.u32 @!p0 v3, $0x3  }
0x71: {  	v5 =	vlaneseq.u32 @!p0;
	v3 =	vand.u32 @!p0 $0x7, v3;
	v4 =	vand.u32 @!p0 $0xFFFFFFC0, v4  }
0x72: {  	v6 =	vshrl.u32 @!p0 v5, $0x3;
	v3 =	vor.u32 @!p0 v3, v4;
	v4 =	vand.u32 @!p0 $0x7, v5  }
0x73: {  	v6 =	vmul.u32 @!p0 $0x8, v6;
	v4 =	vperm.xlane @!p0 v3, v4;
	_ =	sdelay $0x1  }
0x74: {  	v4 =	vadd.s32 @!p0 v6, v4;
	_ =	sdelay $0x3  }
0x75: {  	vm1 =	vmmov @!p0 $0xffff;
	s13 =	simm.s32 @!p0 $0xD000;
	s11 =	simm.s32 @!p0 $0x0  }
0x76: {  	v5 =	vor.u32 @!p0 $0x8, v5;
	[tilespmem:s13], [sflag:$0x4] =	stream.indirect_vreg.gather @!p0 [hbm4b:s1+s11], $0x80, v4, vm1, $0xb8;
	[tilespmem:$0x11000] =	vst v63  }
0x77: {  	v3 =	vperm.xlane @!p0 v3, v5;
	s13 =	simm.s32 @!p0 $0xD800  }
0x78: {  	[tilespmem:s13], [sflag:$0x4] =	stream.indirect_vreg.gather @!p0 [hbm4b:s5+s11], $0x80, v4, vm1, $0xb8;
	[tilespmem:$0x11000] =	vst v63  }
0x79: {  	v3 =	vadd.s32 @!p0 v6, v3;
	s13 =	simm.s32 @!p0 $0xE000  }
0x7a: {  	[tilespmem:s13], [sflag:$0x4] =	stream.indirect_vreg.gather @!p0 [hbm4b:s6+s11], $0x80, v4, vm1, $0xb8;
	[tilespmem:$0x11000] =	vst v63  }
0x7b: {  	s13 =	simm.s32 @!p0 $0xE800  }
0x7c: {  	[tilespmem:s13], [sflag:$0x4] =	stream.indirect_vreg.gather @!p0 [hbm4b:s7+s11], $0x80, v4, vm1, $0xb8;
	[tilespmem:$0x11000] =	vst v63  }
0x7d: {  	s13 =	simm.s32 @!p0 $0xF000  }
0x7e: {  	[tilespmem:s13], [sflag:$0x4] =	stream.indirect_vreg.gather @!p0 [hbm4b:s1+s11], $0x80, v3, vm1, $0xb8;
	[tilespmem:$0x11000] =	vst v63  }
0x7f: {  	s13 =	simm.s32 @!p0 $0xF800  }
0x80: {  	[tilespmem:s13], [sflag:$0x4] =	stream.indirect_vreg.gather @!p0 [hbm4b:s5+s11], $0x80, v3, vm1, $0xb8;
	[tilespmem:$0x11000] =	vst v63  }
0x81: {  	s13 =	simm.s32 @!p0 $0x10000  }
0x82: {  	[tilespmem:s13], [sflag:$0x4] =	stream.indirect_vreg.gather @!p0 [hbm4b:s6+s11], $0x80, v3, vm1, $0xb8;
	[tilespmem:$0x11000] =	vst v63  }
0x83: {  	s13 =	simm.s32 @!p0 $0x10800  }
0x84: {  	[tilespmem:s13], [sflag:$0x4] =	stream.indirect_vreg.gather @!p0 [hbm4b:s7+s11], $0x80, v3, vm1, $0xb8;
	[tilespmem:$0x11000] =	vst v63  }
0x85: {  	_ =	swait.ge [sflag:s21], $0x4000  }
0x86: {  	p0 =	seq.s32 s2, $0xE000;
	s14 =	rddreg [dreg:$0x4];
	[sflag:s21] =	ssyncset.done $0x0  }
0x87: {  	s13 =	simm.s32 @!p0 $0x5;
	[sflag:s21] =	ssyncadd.s32 $0xFFFFC000;
	s11 =	sadd.s32 s2, s14  }
0x88: {  	[hbm4b:s11+s3] =	stream.linear.scatter [tilespmem:s10], [sflag:$0x5], $0x4000, $0x38;
	[tilespmem:$0x11000] =	vst v63  }
0x89: {  	_ =	swait.ge @!p0 [sflag:s13], $0x4000  }
0x8a: {  	[sflag:s13] =	ssyncset.done @!p0 $0x0  }
0x8b: {  	[sflag:s13] =	ssyncadd.s32 @!p0 $0xFFFFC000  }
0x8c: {  	v3 =	vld @!p0 [tilespmem:s0+$0xFFFFFF00];
	_ =	sdelay $0x4  }
0x8d: {  	v4 =	vshll.u32 @!p0 v3, $0x3  }
0x8e: {  	v5 =	vlaneseq.u32 @!p0;
	v3 =	vand.u32 @!p0 $0x7, v3;
	v4 =	vand.u32 @!p0 $0xFFFFFFC0, v4  }
0x8f: {  	v6 =	vshrl.u32 @!p0 v5, $0x3;
	v3 =	vor.u32 @!p0 v3, v4;
	v4 =	vand.u32 @!p0 $0x7, v5  }
0x90: {  	v6 =	vmul.u32 @!p0 $0x8, v6;
	v7 =	vperm.xlane @!p0 v3, v4;
	_ =	sdelay $0x1  }
0x91: {  	v7 =	vadd.s32 @!p0 v6, v7;
	_ =	sdelay $0x3  }
0x92: {  	vm1 =	vmmov @!p0 $0xffff;
	s14 =	simm.s32 @!p0 $0x1000;
	s13 =	simm.s32 @!p0 $0x0  }
0x93: {  	v5 =	vor.u32 @!p0 $0x8, v5;
	[tilespmem:s14], [sflag:$0x1] =	stream.indirect_vreg.gather @!p0 [hbm4b:s1+s13], $0x80, v7, vm1, $0xb8;
	[tilespmem:$0x11000] =	vst v63  }
0x94: {  	v3 =	vperm.xlane @!p0 v3, v5;
	s14 =	simm.s32 @!p0 $0x1800  }
0x95: {  	[tilespmem:s14], [sflag:$0x1] =	stream.indirect_vreg.gather @!p0 [hbm4b:s5+s13], $0x80, v7, vm1, $0xb8;
	[tilespmem:$0x11000] =	vst v63  }
0x96: {  	v3 =	vadd.s32 @!p0 v6, v3;
	s14 =	simm.s32 @!p0 $0x2000  }
0x97: {  	[tilespmem:s14], [sflag:$0x1] =	stream.indirect_vreg.gather @!p0 [hbm4b:s6+s13], $0x80, v7, vm1, $0xb8;
	[tilespmem:$0x11000] =	vst v63  }
0x98: {  	s14 =	simm.s32 @!p0 $0x2800  }
0x99: {  	[tilespmem:s14], [sflag:$0x1] =	stream.indirect_vreg.gather @!p0 [hbm4b:s7+s13], $0x80, v7, vm1, $0xb8;
	[tilespmem:$0x11000] =	vst v63  }
0x9a: {  	s14 =	simm.s32 @!p0 $0x3000  }
0x9b: {  	[tilespmem:s14], [sflag:$0x1] =	stream.indirect_vreg.gather @!p0 [hbm4b:s1+s13], $0x80, v3, vm1, $0xb8;
	[tilespmem:$0x11000] =	vst v63  }
0x9c: {  	s14 =	simm.s32 @!p0 $0x3800  }
0x9d: {  	[tilespmem:s14], [sflag:$0x1] =	stream.indirect_vreg.gather @!p0 [hbm4b:s5+s13], $0x80, v3, vm1, $0xb8;
	[tilespmem:$0x11000] =	vst v63  }
0x9e: {  	s14 =	simm.s32 @!p0 $0x4000  }
0x9f: {  	[tilespmem:s14], [sflag:$0x1] =	stream.indirect_vreg.gather @!p0 [hbm4b:s6+s13], $0x80, v3, vm1, $0xb8;
	[tilespmem:$0x11000] =	vst v63  }
0xa0: {  	s14 =	simm.s32 @!p0 $0x4800  }
0xa1: {  	[tilespmem:s14], [sflag:$0x1] =	stream.indirect_vreg.gather @!p0 [hbm4b:s7+s13], $0x80, v3, vm1, $0xb8;
	[tilespmem:$0x11000] =	vst v63  }
0xa2: {  	_ =	swait.ge [sflag:s22], $0x4000  }
0xa3: {  	[sflag:s22] =	ssyncset.done $0x0  }
0xa4: {  	s14 =	sadd.s32 $0x800, s11;
	[sflag:s22] =	ssyncadd.s32 $0xFFFFC000  }
0xa5: {  	[hbm4b:s14+s3] =	stream.linear.scatter [tilespmem:s18], [sflag:$0x6], $0x4000, $0x38;
	[tilespmem:$0x11000] =	vst v63  }
0xa6: {  	s14 =	simm.s32 @!p0 $0x6  }
0xa7: {  	_ =	swait.ge @!p0 [sflag:s14], $0x4000  }
0xa8: {  	[sflag:s14] =	ssyncset.done @!p0 $0x0  }
0xa9: {  	[sflag:s14] =	ssyncadd.s32 @!p0 $0xFFFFC000  }
0xaa: {  	v3 =	vld @!p0 [tilespmem:s0+$0xFFFFFF80];
	_ =	sdelay $0x4  }
0xab: {  	v7 =	vshll.u32 @!p0 v3, $0x3  }
0xac: {  	v3 =	vand.u32 @!p0 $0x7, v3;
	v7 =	vand.u32 @!p0 $0xFFFFFFC0, v7  }
0xad: {  	v3 =	vor.u32 @!p0 v3, v7  }
0xae: {  	v7 =	vperm.xlane @!p0 v3, v4;
	_ =	sdelay $0x1  }
0xaf: {  	v7 =	vadd.s32 @!p0 v6, v7;
	_ =	sdelay $0x3  }
0xb0: {  	s14 =	simm.s32 @!p0 $0x5000  }
0xb1: {  	[tilespmem:s14], [sflag:$0x2] =	stream.indirect_vreg.gather @!p0 [hbm4b:s1+s13], $0x80, v7, vm1, $0xb8;
	[tilespmem:$0x11000] =	vst v63  }
0xb2: {  	v3 =	vperm.xlane @!p0 v3, v5;
	s14 =	simm.s32 @!p0 $0x5800  }
0xb3: {  	[tilespmem:s14], [sflag:$0x2] =	stream.indirect_vreg.gather @!p0 [hbm4b:s5+s13], $0x80, v7, vm1, $0xb8;
	[tilespmem:$0x11000] =	vst v63  }
0xb4: {  	v3 =	vadd.s32 @!p0 v6, v3;
	s14 =	simm.s32 @!p0 $0x6000  }
0xb5: {  	[tilespmem:s14], [sflag:$0x2] =	stream.indirect_vreg.gather @!p0 [hbm4b:s6+s13], $0x80, v7, vm1, $0xb8;
	[tilespmem:$0x11000] =	vst v63  }
0xb6: {  	s14 =	simm.s32 @!p0 $0x6800  }
0xb7: {  	[tilespmem:s14], [sflag:$0x2] =	stream.indirect_vreg.gather @!p0 [hbm4b:s7+s13], $0x80, v7, vm1, $0xb8;
	[tilespmem:$0x11000] =	vst v63  }
0xb8: {  	s14 =	simm.s32 @!p0 $0x7000  }
0xb9: {  	[tilespmem:s14], [sflag:$0x2] =	stream.indirect_vreg.gather @!p0 [hbm4b:s1+s13], $0x80, v3, vm1, $0xb8;
	[tilespmem:$0x11000] =	vst v63  }
0xba: {  	s14 =	simm.s32 @!p0 $0x7800  }
0xbb: {  	[tilespmem:s14], [sflag:$0x2] =	stream.indirect_vreg.gather @!p0 [hbm4b:s5+s13], $0x80, v3, vm1, $0xb8;
	[tilespmem:$0x11000] =	vst v63  }
0xbc: {  	s14 =	simm.s32 @!p0 $0x8000  }
0xbd: {  	[tilespmem:s14], [sflag:$0x2] =	stream.indirect_vreg.gather @!p0 [hbm4b:s6+s13], $0x80, v3, vm1, $0xb8;
	[tilespmem:$0x11000] =	vst v63  }
0xbe: {  	s14 =	simm.s32 @!p0 $0x8800  }
0xbf: {  	[tilespmem:s14], [sflag:$0x2] =	stream.indirect_vreg.gather @!p0 [hbm4b:s7+s13], $0x80, v3, vm1, $0xb8;
	[tilespmem:$0x11000] =	vst v63  }
0xc0: {  	_ =	swait.ge [sflag:s23], $0x4000  }
0xc1: {  	[sflag:s23] =	ssyncset.done $0x0  }
0xc2: {  	s14 =	sadd.s32 $0x1000, s11;
	[sflag:s23] =	ssyncadd.s32 $0xFFFFC000  }
0xc3: {  	[hbm4b:s14+s3] =	stream.linear.scatter [tilespmem:s26], [sflag:$0x7], $0x4000, $0x38;
	[tilespmem:$0x11000] =	vst v63  }
0xc4: {  	s14 =	simm.s32 @!p0 $0x7  }
0xc5: {  	_ =	swait.ge @!p0 [sflag:s14], $0x4000  }
0xc6: {  	[sflag:s14] =	ssyncset.done @!p0 $0x0  }
0xc7: {  	[sflag:s14] =	ssyncadd.s32 @!p0 $0xFFFFC000  }
0xc8: {  	v3 =	vld @!p0 [tilespmem:s0+$0x0];
	_ =	sdelay $0x4  }
0xc9: {  	v7 =	vshll.u32 @!p0 v3, $0x3  }
0xca: {  	v3 =	vand.u32 @!p0 $0x7, v3;
	v7 =	vand.u32 @!p0 $0xFFFFFFC0, v7  }
0xcb: {  	v3 =	vor.u32 @!p0 v3, v7  }
0xcc: {  	v4 =	vperm.xlane @!p0 v3, v4;
	_ =	sdelay $0x1  }
0xcd: {  	v4 =	vadd.s32 @!p0 v6, v4;
	_ =	sdelay $0x3  }
0xce: {  	s14 =	simm.s32 @!p0 $0x9000  }
0xcf: {  	[tilespmem:s14], [sflag:$0x3] =	stream.indirect_vreg.gather @!p0 [hbm4b:s1+s13], $0x80, v4, vm1, $0xb8;
	[tilespmem:$0x11000] =	vst v63  }
0xd0: {  	v3 =	vperm.xlane @!p0 v3, v5;
	s14 =	simm.s32 @!p0 $0x9800  }
0xd1: {  	[tilespmem:s14], [sflag:$0x3] =	stream.indirect_vreg.gather @!p0 [hbm4b:s5+s13], $0x80, v4, vm1, $0xb8;
	[tilespmem:$0x11000] =	vst v63  }
0xd2: {  	v3 =	vadd.s32 @!p0 v6, v3;
	s14 =	simm.s32 @!p0 $0xA000  }
0xd3: {  	[tilespmem:s14], [sflag:$0x3] =	stream.indirect_vreg.gather @!p0 [hbm4b:s6+s13], $0x80, v4, vm1, $0xb8;
	[tilespmem:$0x11000] =	vst v63  }
0xd4: {  	s14 =	simm.s32 @!p0 $0xA800  }
0xd5: {  	[tilespmem:s14], [sflag:$0x3] =	stream.indirect_vreg.gather @!p0 [hbm4b:s7+s13], $0x80, v4, vm1, $0xb8;
	[tilespmem:$0x11000] =	vst v63  }
0xd6: {  	s14 =	simm.s32 @!p0 $0xB000  }
0xd7: {  	[tilespmem:s14], [sflag:$0x3] =	stream.indirect_vreg.gather @!p0 [hbm4b:s1+s13], $0x80, v3, vm1, $0xb8;
	[tilespmem:$0x11000] =	vst v63  }
0xd8: {  	s14 =	simm.s32 @!p0 $0xB800  }
0xd9: {  	[tilespmem:s14], [sflag:$0x3] =	stream.indirect_vreg.gather @!p0 [hbm4b:s5+s13], $0x80, v3, vm1, $0xb8;
	[tilespmem:$0x11000] =	vst v63  }
0xda: {  	s14 =	simm.s32 @!p0 $0xC000  }
0xdb: {  	[tilespmem:s14], [sflag:$0x3] =	stream.indirect_vreg.gather @!p0 [hbm4b:s6+s13], $0x80, v3, vm1, $0xb8;
	[tilespmem:$0x11000] =	vst v63  }
0xdc: {  	s2 =	sadd.s32 $0x2000, s2;
	s14 =	simm.s32 @!p0 $0xC800  }
0xdd: {  	[tilespmem:s14], [sflag:$0x3] =	stream.indirect_vreg.gather @!p0 [hbm4b:s7+s13], $0x80, v3, vm1, $0xb8;
	[tilespmem:$0x11000] =	vst v63  }
0xde: {  	p0 =	sne.s32 s2, $0x10000  }
.Ltmp0:
0xdf: {  	_ = 	snop;
	(pc) =	sbr.rel @p0 .LBB2_2-.Ltmp0, $4  }
0xe0: {  	_ =	swait.ge [sflag:s24], $0x4000  }
0xe1: {  	[sflag:s24] =	ssyncset.done $0x0  }
0xe2: {  	s11 =	sadd.s32 $0x1800, s11;
	s0 =	sadd.s32 $0x200, s0;
	[sflag:s24] =	ssyncadd.s32 $0xFFFFC000  }
0xe3: {  	[hbm4b:s11+s3] =	stream.linear.scatter [tilespmem:s12], [sflag:$0x8], $0x4000, $0x38;
	[tilespmem:$0x11000] =	vst v63  }
0xe4: {  	_ =	swait.ge [sflag:s25], $0x4000  }
0xe5: {  	[sflag:s25] =	ssyncset.done $0x0  }
0xe6: {  	[sflag:s25] =	ssyncadd.s32 $0xFFFFC000  }
0xe7: {  	_ =	swait.ge [sflag:s28], $0x4000  }
0xe8: {  	[sflag:s28] =	ssyncset.done $0x0  }
0xe9: {  	s31 =	sadd.s32 $0x1, s31;
	[sflag:s28] =	ssyncadd.s32 $0xFFFFC000  }
0xea: {  	p0 =	sne.s32 s31, s8;
	_ =	swait.ge [sflag:s29], $0x4000  }
.Ltmp1:
0xeb: {  	[sflag:s29] =	ssyncset.done $0x0;
	(pc) =	sbr.rel @p0 .LBB2_1-.Ltmp1, $4  }
0xec: {  	[sflag:s29] =	ssyncadd.s32 $0xFFFFC000  }
0xed: {  	_ =	swait.ge [sflag:s30], $0x4000  }
0xee: {  	[sflag:s30] =	ssyncset.done $0x0  }
0xef: {  	[sflag:s30] =	ssyncadd.s32 $0xFFFFC000  }
0xf0: {  	_ =	sfence.sel $0x180000  }
0xf1: {  	[bflag:$0x0] =	sbarrier.arrive $0xFFFF  }
0xf2: {  	_ =	strace $0x90000047  }
0xf3: {  	s0 =	stileid.u32;
	[bflag:$0x2] =	sbarrier.arrive $0xFFFF  }
0xf4: {  	p0 =	sne.s32 s0, $0x0;
	s0 =	rddreg [dreg:$0x3]  }
0xf5: {  	s0 =	sadd.s32 @!p0 $0x100000, s0  }
0xf6: {  	[sflag:s0] =	ssyncadd.tile.s32 @!p0 $0x1;
	_ =	shalt  }
.Lfunc_end2:
_tile_overlayer_lowered:
.L_overlay_start_2:
0xf7: {  	(tag) =	ssettag $0x2  }
0xf8: {  	s0 =	rddreg [dreg:$0x0];
	s2 =	stileid.u32  }
0xf9: {  	s1 =	rddreg [dreg:$0x1];
	p0 =	sne.s32 s2, $0x0  }
0xfa: {  	s3 =	rddreg [dreg:$0x2];
	[bflag:$0x3] =	sbarrier.arrive $0xFFFF;
	s2 =	simm.s32 @!p0 $0x1C09  }
0xfb: {  	[timem:s3], [sflag:s2] =	dma.local @!p0 [hbm:s0], s1  }
0xfc: {  	s0 =	simm.s32 @!p0 $0x9  }
0xfd: {  	_ =	swait.ge @!p0 [sflag:s0], s1  }
0xfe: {  	s1 =	ssub.s32 @!p0 $0x0, s1;
	[sflag:s0] =	ssyncset.done @!p0 $0x0  }
0xff: {  	[sflag:s0] =	ssyncadd.s32 @!p0 s1  }
0x100: {  	[bflag:$0x3] =	sbarrier.arrive $0xFFFF  }
0x101: {  	_ =	shalt  }

</sc_bundles>
